<compile_context>
chip_gen: v7x
topology: tpu7x:2x2x1
jax: 0.10.2.dev20260603
libtpu: 0.0.44.dev20260713+nightly
codegen_flags: <defaults>
</compile_context>

<pallas_src>
import functools

import jax
import jax.numpy as jnp
from jax import lax
from jax.experimental import pallas as pl
from jax.experimental.pallas import tpu as pltpu
from jax.experimental.pallas import tpu_sc as plsc

N_CODES = 8192
DIM = 256
BETA = 0.25

R_BLK = 4096
C_BLK = 4096
C_HALF = 1024
N_CB = N_CODES // C_BLK


def _dist_argmin_body(z_ref, w_ref, idx_ref, lsum_ref,
                      zi_ref, zsq_ref, wsq_ref, best_ref, bidx_ref):
    rb = pl.program_id(0)
    cb = pl.program_id(1)

    @pl.when(cb == 0)
    def _zsq():
        zi_t = jnp.transpose(z_ref[...], (0, 2, 1)).reshape(R_BLK, DIM)
        zi_ref[...] = zi_t
        zsq_ref[...] = jnp.sum(zi_t * zi_t, axis=1, keepdims=True)

    zi = zi_ref[...]

    @pl.when(rb == 0)
    def _wsq():
        wb_all = w_ref[...]
        wsq_ref[:, pl.ds(cb * C_BLK, C_BLK)] = jnp.sum(
            wb_all * wb_all, axis=1, keepdims=True).reshape(1, C_BLK)

    zsq = zsq_ref[...]
    colf = lax.broadcasted_iota(
        jnp.int32, (1, C_HALF), 1).astype(jnp.float32)

    for h in range(C_BLK // C_HALF):
        wb = w_ref[h * C_HALF:(h + 1) * C_HALF, :]
        s = lax.dot_general(zi, wb, (((1,), (1,)), ((), ())),
                            preferred_element_type=jnp.float32)
        wsq = wsq_ref[:, pl.ds(cb * C_BLK + h * C_HALF, C_HALF)]
        d = (zsq + wsq) - 2.0 * s

        bmin = jnp.min(d, axis=1, keepdims=True)
        bargf = (jnp.min(jnp.where(d == bmin, colf, float(N_CODES)),
                         axis=1, keepdims=True)
                 + (cb * C_BLK + h * C_HALF).astype(jnp.float32))

        if h == 0:
            @pl.when(cb == 0)
            def _init():
                best_ref[...] = bmin
                bidx_ref[...] = bargf

            @pl.when(cb > 0)
            def _update0():
                prev = best_ref[...]
                take = bmin < prev
                best_ref[...] = jnp.where(take, bmin, prev)
                bidx_ref[...] = jnp.where(take, bargf, bidx_ref[...])
        else:
            prev = best_ref[...]
            take = bmin < prev
            best_ref[...] = jnp.where(take, bmin, prev)
            bidx_ref[...] = jnp.where(take, bargf, bidx_ref[...])

    @pl.when(cb == N_CB - 1)
    def _emit():
        idx_ref[0] = bidx_ref[...].astype(jnp.int32)
        row_sum = jnp.sum(best_ref[...])
        total = jnp.where(rb == 0, 0.0, lsum_ref[0, 0]) + row_sum
        m = total * (1.0 / (N_CODES * DIM))
        lsum_ref[0, 0] = jnp.where(rb == pl.num_programs(0) - 1,
                                   m + BETA * m, total)


def _dist_argmin(z3, w):
    n_rb = z3.shape[0] * z3.shape[2] // R_BLK
    return pl.pallas_call(
        _dist_argmin_body,
        grid=(n_rb, N_CB),
        in_specs=[
            pl.BlockSpec((R_BLK // 1024, DIM, 1024), lambda rb, cb: (rb, 0, 0)),
            pl.BlockSpec((C_BLK, DIM), lambda rb, cb: (cb, 0)),
        ],
        out_specs=[
            pl.BlockSpec((1, R_BLK, 1), lambda rb, cb: (rb, 0, 0)),
            pl.BlockSpec(memory_space=pltpu.MemorySpace.SMEM),
        ],
        out_shape=[
            jax.ShapeDtypeStruct((n_rb, R_BLK, 1), jnp.int32),
            jax.ShapeDtypeStruct((1, 1), jnp.float32),
        ],
        scratch_shapes=[
            pltpu.VMEM((R_BLK, DIM), jnp.float32),
            pltpu.VMEM((R_BLK, 1), jnp.float32),
            pltpu.VMEM((1, N_CODES), jnp.float32),
            pltpu.VMEM((R_BLK, 1), jnp.float32),
            pltpu.VMEM((R_BLK, 1), jnp.float32),
        ],
        compiler_params=pltpu.CompilerParams(
            dimension_semantics=("arbitrary", "arbitrary")),
    )(z3, w)


def _sc_gather(w, idx):
    info = plsc.get_sparse_core_info()
    nw = info.num_cores * info.num_subcores
    n = idx.shape[0]
    b_per_w = n // nw
    mesh = plsc.VectorSubcoreMesh(core_axis_name="c", subcore_axis_name="s")

    @functools.partial(
        pl.kernel, mesh=mesh,
        out_type=jax.ShapeDtypeStruct((n, DIM), jnp.float32),
        scratch_types=[
            pltpu.VMEM((b_per_w,), jnp.int32),
            pltpu.VMEM((b_per_w, DIM), jnp.float32),
            pltpu.SemaphoreType.DMA,
        ],
    )
    def gather_k(table_hbm, idx_hbm, out_hbm, idx_v, rows_v, sem):
        wid = lax.axis_index("s") * info.num_cores + lax.axis_index("c")
        base = wid * b_per_w
        pltpu.sync_copy(idx_hbm.at[pl.ds(base, b_per_w)], idx_v)
        pltpu.async_copy(table_hbm.at[idx_v], rows_v, sem).wait()
        pltpu.sync_copy(rows_v, out_hbm.at[pl.ds(base, b_per_w)])

    return gather_k(w, idx)


def kernel(z, W):
    b, c, h, w_ = z.shape
    n = b * h * w_
    z3 = z.reshape(b, c, h * w_)

    idx3, lsum = _dist_argmin(z3, W)
    idx = idx3.reshape(n)

    loss = lsum[0, 0]

    zq_flat = _sc_gather(W, idx)
    zq = jnp.transpose(zq_flat.reshape(b, h, w_, c), (0, 3, 1, 2))
    return (zq, loss)

# --- scband reference (transcript-rebuilt; emitter-appended) ---
"""Pipeline reference for scband-vqquantizer-44306882625716 (READ-ONLY COPY).

The authoritative reference and input builder live on the scoring server;
editing this copy changes nothing except your own understanding.
"""

import jax, jax.numpy as jnp
import numpy as np

N_CODES = 8192
DIM = 256
CODEBOOK_NUM = 1
BETA = 0.25


def setup_inputs(seed: int = 0) -> dict:
    key = jax.random.key(seed)
    k1, k2 = jax.random.split(key)
    z = jax.random.normal(k1, (8, 256, 32, 32), dtype=jnp.float32)
    W = jax.random.uniform(k2, (N_CODES, DIM), dtype=jnp.float32,
                           minval=-1.0 / N_CODES, maxval=1.0 / N_CODES)
    return {"z": z, "W": W}


def reference(z, W):
    # format == 'bchw': b c h w -> b h w c
    zp = jnp.transpose(z, (0, 2, 3, 1))
    z_flattened = zp.reshape(-1, DIM, CODEBOOK_NUM)
    z_q_list = []
    for i in range(CODEBOOK_NUM):
        zi = z_flattened[:, :, i]
        d = (jnp.sum(zi ** 2, axis=1, keepdims=True)
             + jnp.sum(W ** 2, axis=1)
             - 2.0 * jnp.einsum('bd,dn->bn', zi, W.T))
        min_encoding_indices = jnp.argmin(d, axis=1)
        z_q_i = jnp.take(W, min_encoding_indices, axis=0)
        z_q_list.append(z_q_i[:, :, None])
    z_q = jnp.concatenate(z_q_list, axis=2)
    z_q = z_q.reshape(zp.shape)
    # legacy=True loss
    loss = (jnp.mean((jax.lax.stop_gradient(z_q) - zp) ** 2)
            + BETA * jnp.mean((z_q - jax.lax.stop_gradient(zp)) ** 2))
    # straight-through estimator
    z_q = zp + jax.lax.stop_gradient(z_q - zp)
    # b h w c -> b c h w
    z_q = jnp.transpose(z_q, (0, 3, 1, 2))
    return (z_q, loss)

if __name__ == "__main__":
    import jax
    _d = setup_inputs()
    print(jax.jit(kernel)(*tuple(_d.values())))

</pallas_src>

<mosaic_0001>
#map = affine_map<(d0, d1) -> (0, 0)>
#map1 = affine_map<(d0, d1) -> (0)>
module attributes {stable_mosaic.version = 14 : i64} {
  func.func @gather_k(%arg0: i32, %arg1: i32, %arg2: memref<8192x256xf32, #tpu.memory_space<hbm>>, %arg3: memref<8192xi32, #tpu.memory_space<hbm>>, %arg4: memref<8192x256xf32, #tpu.memory_space<hbm>>, %arg5: memref<256xi32, #tpu.memory_space<vmem>>, %arg6: memref<256x256xf32, #tpu.memory_space<vmem>>, %arg7: memref<!tpu.dma_semaphore, #tpu.memory_space<semaphore_mem>>) attributes {dimension_semantics = [#tpu.dimension_semantics<core_parallel>, #tpu.dimension_semantics<subcore_parallel>], iteration_bounds = array<i64: 2, 16>, scalar_prefetch = 0 : i64, scratch_operands = 3 : i64, tpu.core_type = #tpu.core_type<sc_vector_subcore>, window_params = [{transform_indices = #map}, {transform_indices = #map1}, {transform_indices = #map}]} {
    %mul3A = arith.constant 2 : i32
    %mul3A_0 = arith.muli %arg1, %mul3A : i32
    %add3A = arith.addi %mul3A_0, %arg0 : i32
    %mul3A_1 = arith.constant 256 : i32
    %mul3A_2 = arith.muli %add3A, %mul3A_1 : i32
    "tpu.region"() ({
      %run_scoped3A = tpu.sem_alloc : memref<!tpu.dma_semaphore, #tpu.memory_space<semaphore_mem>>
      %dma_start3A_7 = tpu.memref_slice %arg3[%mul3A_2] : memref<8192xi32, #tpu.memory_space<hbm>> -> memref<256xi32, #tpu.memory_space<hbm>>
      %dma_start3A_8 = tpu.memref_slice %arg3[%mul3A_2] : memref<8192xi32, #tpu.memory_space<hbm>> -> memref<256xi32, #tpu.memory_space<hbm>>
      tpu.enqueue_dma source(%dma_start3A_8 : memref<256xi32, #tpu.memory_space<hbm>>) target(%arg5 : memref<256xi32, #tpu.memory_space<vmem>>) target_semaphore(%run_scoped3A : memref<!tpu.dma_semaphore, #tpu.memory_space<semaphore_mem>>)
      %dma_wait3A_9 = tpu.memref_slice %arg3[%mul3A_2] : memref<8192xi32, #tpu.memory_space<hbm>> -> memref<256xi32, #tpu.memory_space<hbm>>
      %dma_wait3A_10 = tpu.memref_slice %arg3[%mul3A_2] : memref<8192xi32, #tpu.memory_space<hbm>> -> memref<256xi32, #tpu.memory_space<hbm>>
      tpu.wait_dma2 semaphore(%run_scoped3A : memref<!tpu.dma_semaphore, #tpu.memory_space<semaphore_mem>>) src(%dma_wait3A_10 : memref<256xi32, #tpu.memory_space<hbm>>) dst(%arg5 : memref<256xi32, #tpu.memory_space<vmem>>)
      tpu.yield
    }) : () -> ()
    %dma_start3A = arith.constant 0 : i32
    %dma_start3A_3 = arith.constant 0 : i32
    %dma_start3A_4 = tpu.memref_slice %arg2[%dma_start3A, %dma_start3A_3] : memref<8192x256xf32, #tpu.memory_space<hbm>> -> memref<8192x256xf32, #tpu.memory_space<hbm>>
    tpu.enqueue_indirect_dma source(%dma_start3A_4 : memref<8192x256xf32, #tpu.memory_space<hbm>>) target(%arg6 : memref<256x256xf32, #tpu.memory_space<vmem>>) offsets(%arg5 : memref<256xi32, #tpu.memory_space<vmem>>) semaphore(%arg7 : memref<!tpu.dma_semaphore, #tpu.memory_space<semaphore_mem>>)
    %dma_wait3A = arith.constant 0 : i32
    %dma_wait3A_5 = arith.constant 0 : i32
    %dma_wait3A_6 = tpu.memref_slice %arg2[%dma_wait3A, %dma_wait3A_5] : memref<8192x256xf32, #tpu.memory_space<hbm>> -> memref<8192x256xf32, #tpu.memory_space<hbm>>
    tpu.wait_indirect_dma semaphore(%arg7 : memref<!tpu.dma_semaphore, #tpu.memory_space<semaphore_mem>>) src(%dma_wait3A_6 : memref<8192x256xf32, #tpu.memory_space<hbm>>) dst(%arg6 : memref<256x256xf32, #tpu.memory_space<vmem>>)
    "tpu.region"() ({
      %run_scoped3A = tpu.sem_alloc : memref<!tpu.dma_semaphore, #tpu.memory_space<semaphore_mem>>
      %dma_start3A_7 = arith.constant 0 : i32
      %dma_start3A_8 = tpu.memref_slice %arg4[%mul3A_2, %dma_start3A_7] : memref<8192x256xf32, #tpu.memory_space<hbm>> -> memref<256x256xf32, #tpu.memory_space<hbm>>
      %dma_start3A_9 = arith.constant 0 : i32
      %dma_start3A_10 = tpu.memref_slice %arg4[%mul3A_2, %dma_start3A_9] : memref<8192x256xf32, #tpu.memory_space<hbm>> -> memref<256x256xf32, #tpu.memory_space<hbm>>
      tpu.enqueue_dma source(%arg6 : memref<256x256xf32, #tpu.memory_space<vmem>>) target(%dma_start3A_10 : memref<256x256xf32, #tpu.memory_space<hbm>>) target_semaphore(%run_scoped3A : memref<!tpu.dma_semaphore, #tpu.memory_space<semaphore_mem>>)
      %dma_wait3A_11 = arith.constant 0 : i32
      %dma_wait3A_12 = tpu.memref_slice %arg4[%mul3A_2, %dma_wait3A_11] : memref<8192x256xf32, #tpu.memory_space<hbm>> -> memref<256x256xf32, #tpu.memory_space<hbm>>
      %dma_wait3A_13 = arith.constant 0 : i32
      %dma_wait3A_14 = tpu.memref_slice %arg4[%mul3A_2, %dma_wait3A_13] : memref<8192x256xf32, #tpu.memory_space<hbm>> -> memref<256x256xf32, #tpu.memory_space<hbm>>
      tpu.wait_dma2 semaphore(%run_scoped3A : memref<!tpu.dma_semaphore, #tpu.memory_space<semaphore_mem>>) src(%arg6 : memref<256x256xf32, #tpu.memory_space<vmem>>) dst(%dma_wait3A_14 : memref<256x256xf32, #tpu.memory_space<hbm>>)
      tpu.yield
    }) : () -> ()
    return
  }
}

module attributes {stable_mosaic.version = 14 : i64} {
  func.func @_dist_argmin_body(%arg0: i32, %arg1: i32, %arg2: memref<4x256x1024xf32, #tpu.memory_space<vmem>>, %arg3: memref<4096x256xf32, #tpu.memory_space<vmem>>, %arg4: memref<1x4096x1xi32, #tpu.memory_space<vmem>>, %arg5: memref<1x1xf32, #tpu.memory_space<smem>>, %arg6: memref<4096x256xf32, #tpu.memory_space<vmem>>, %arg7: memref<4096x1xf32, #tpu.memory_space<vmem>>, %arg8: memref<1x8192xf32, #tpu.memory_space<vmem>>, %arg9: memref<4096x1xf32, #tpu.memory_space<vmem>>, %arg10: memref<4096x1xf32, #tpu.memory_space<vmem>>) attributes {dimension_semantics = [#tpu.dimension_semantics<arbitrary>, #tpu.dimension_semantics<arbitrary>], iteration_bounds = array<i64: 2, 2>, scalar_prefetch = 0 : i64, scratch_operands = 5 : i64, tpu.core_type = #tpu.core_type<tc>, window_params = [{transform_indices = @transform_0, window_bounds = array<i64: 4, 256, 1024>}, {transform_indices = @transform_1, window_bounds = array<i64: 4096, 256>}, {transform_indices = @transform_2, window_bounds = array<i64: 1, 4096, 1>}, {transform_indices = @transform_3, window_bounds = array<i64: 1, 1>}]} {
    %eq3A = arith.constant 0 : i32
    %eq3A_0 = arith.cmpi eq, %arg1, %eq3A : i32
    %convert_element_type3A = arith.extui %eq3A_0 : i1 to i32
    %cond3A = arith.constant 0 : i32
    %cond3A_1 = arith.cmpi ne, %convert_element_type3A, %cond3A : i32
    scf.if %cond3A_1 {
      %get3A_218 = arith.constant 0 : index
      %get3A_219 = arith.constant 0 : index
      %get3A_220 = arith.constant 0 : index
      %get3A_221 = vector.load %arg2[%get3A_218, %get3A_219, %get3A_220] : memref<4x256x1024xf32, #tpu.memory_space<vmem>>, vector<4x256x1024xf32>
      %transpose3A = tpu.transpose %get3A_221, [0, 2, 1] : vector<4x256x1024xf32> -> vector<4x1024x256xf32>
      %reshape3A = vector.shape_cast %transpose3A : vector<4x1024x256xf32> to vector<4096x256xf32>
      %swap3A_222 = arith.constant 0 : index
      %swap3A_223 = arith.constant 0 : index
      %swap3A_224 = vector.load %arg6[%swap3A_222, %swap3A_223] : memref<4096x256xf32, #tpu.memory_space<vmem>>, vector<4096x256xf32>
      tpu.vector_store %arg6[%swap3A_222, %swap3A_223], %reshape3A {strides = array<i32>} : memref<4096x256xf32, #tpu.memory_space<vmem>>, vector<4096x256xf32>,
      %mul3A_225 = arith.mulf %reshape3A, %reshape3A : vector<4096x256xf32>
      %reduce_sum3A = arith.constant dense<0.000000e+00> : vector<4096xf32>
      %reduce_sum3A_226 = vector.multi_reduction <add>, %mul3A_225, %reduce_sum3A [1] : vector<4096x256xf32> to vector<4096xf32>
      %broadcast_in_dim3A_227 = vector.shape_cast %reduce_sum3A_226 : vector<4096xf32> to vector<4096x1xf32>
      %swap3A_228 = arith.constant 0 : index
      %swap3A_229 = arith.constant 0 : index
      %swap3A_230 = vector.load %arg7[%swap3A_228, %swap3A_229] : memref<4096x1xf32, #tpu.memory_space<vmem>>, vector<4096x1xf32>
      tpu.vector_store %arg7[%swap3A_228, %swap3A_229], %broadcast_in_dim3A_227 {strides = array<i32>} : memref<4096x1xf32, #tpu.memory_space<vmem>>, vector<4096x1xf32>,
    } else {
    }
    %get3A = arith.constant 0 : index
    %get3A_2 = arith.constant 0 : index
    %get3A_3 = vector.load %arg6[%get3A, %get3A_2] : memref<4096x256xf32, #tpu.memory_space<vmem>>, vector<4096x256xf32>
    %eq3A_4 = arith.constant 0 : i32
    %eq3A_5 = arith.cmpi eq, %arg0, %eq3A_4 : i32
    %convert_element_type3A_6 = arith.extui %eq3A_5 : i1 to i32
    %cond3A_7 = arith.constant 0 : i32
    %cond3A_8 = arith.cmpi ne, %convert_element_type3A_6, %cond3A_7 : i32
    scf.if %cond3A_8 {
      %get3A_218 = arith.constant 0 : index
      %get3A_219 = arith.constant 0 : index
      %get3A_220 = vector.load %arg3[%get3A_218, %get3A_219] : memref<4096x256xf32, #tpu.memory_space<vmem>>, vector<4096x256xf32>
      %mul3A_221 = arith.mulf %get3A_220, %get3A_220 : vector<4096x256xf32>
      %reduce_sum3A = arith.constant dense<0.000000e+00> : vector<4096xf32>
      %reduce_sum3A_222 = vector.multi_reduction <add>, %mul3A_221, %reduce_sum3A [1] : vector<4096x256xf32> to vector<4096xf32>
      %broadcast_in_dim3A_223 = vector.shape_cast %reduce_sum3A_222 : vector<4096xf32> to vector<4096x1xf32>
      %reshape3A = vector.shape_cast %broadcast_in_dim3A_223 : vector<4096x1xf32> to vector<1x4096xf32>
      %mul3A_224 = arith.constant 4096 : i32
      %mul3A_225 = arith.muli %arg1, %mul3A_224 : i32
      %swap3A_226 = arith.constant 0 : index
      %swap3A_227 = arith.index_cast %mul3A_225 : i32 to index
      %swap3A_228 = vector.load %arg8[%swap3A_226, %swap3A_227] : memref<1x8192xf32, #tpu.memory_space<vmem>>, vector<1x4096xf32>
      tpu.vector_store %arg8[%swap3A_226, %swap3A_227], %reshape3A {strides = array<i32>} : memref<1x8192xf32, #tpu.memory_space<vmem>>, vector<1x4096xf32>,
    } else {
    }
    %get3A_9 = arith.constant 0 : index
    %get3A_10 = arith.constant 0 : index
    %get3A_11 = vector.load %arg7[%get3A_9, %get3A_10] : memref<4096x1xf32, #tpu.memory_space<vmem>>, vector<4096x1xf32>
    %iota3A = tpu.iota {dimensions = array<i32: 1>} : vector<1x1024xi32>
    %convert_element_type3A_12 = arith.sitofp %iota3A : vector<1x1024xi32> to vector<1x1024xf32>
    %get3A_13 = arith.constant 0 : index
    %get3A_14 = arith.constant 0 : index
    %get3A_15 = vector.load %arg3[%get3A_13, %get3A_14] : memref<4096x256xf32, #tpu.memory_space<vmem>>, vector<1024x256xf32>
    %dot_general3A = arith.constant dense<0.000000e+00> : vector<4096x1024xf32>
    %dot_general3A_16 = tpu.matmul %get3A_3, %get3A_15, %dot_general3A {dimension_numbers = #tpu.dot_dimension_numbers<[1], [1], [0], [0], [0, 0, 1, 0], [], []>, transpose_lhs_hint = false} : vector<4096x256xf32>, vector<1024x256xf32>, vector<4096x1024xf32> -> vector<4096x1024xf32>
    %mul3A = arith.constant 4096 : i32
    %mul3A_17 = arith.muli %arg1, %mul3A : i32
    %add3A = arith.constant 0 : i32
    %add3A_18 = arith.addi %mul3A_17, %add3A : i32
    %get3A_19 = arith.constant 0 : index
    %get3A_20 = arith.index_cast %add3A_18 : i32 to index
    %get3A_21 = vector.load %arg8[%get3A_19, %get3A_20] : memref<1x8192xf32, #tpu.memory_space<vmem>>, vector<1x1024xf32>
    %add3A_22 = vector.broadcast %get3A_11 : vector<4096x1xf32> to vector<4096x1024xf32>
    %add3A_23 = vector.broadcast %get3A_21 : vector<1x1024xf32> to vector<4096x1024xf32>
    %add3A_24 = arith.addf %add3A_22, %add3A_23 : vector<4096x1024xf32>
    %mul3A_25 = arith.constant 2.000000e+00 : f32
    %mul3A_26 = vector.broadcast %mul3A_25 : f32 to vector<4096x1024xf32>
    %mul3A_27 = arith.mulf %mul3A_26, %dot_general3A_16 : vector<4096x1024xf32>
    %sub3A = arith.subf %add3A_24, %mul3A_27 : vector<4096x1024xf32>
    %reduce_min3A = arith.constant dense<0x7F800000> : vector<4096xf32>
    %reduce_min3A_28 = vector.multi_reduction <minimumf>, %sub3A, %reduce_min3A [1] : vector<4096x1024xf32> to vector<4096xf32>
    %broadcast_in_dim3A = vector.shape_cast %reduce_min3A_28 : vector<4096xf32> to vector<4096x1xf32>
    %eq3A_29 = vector.broadcast %broadcast_in_dim3A : vector<4096x1xf32> to vector<4096x1024xf32>
    %eq3A_30 = arith.cmpf oeq, %sub3A, %eq3A_29 : vector<4096x1024xf32>
    %jit3A = arith.constant 8.192000e+03 : f32
    %broadcast_in_dim3A_31 = vector.shape_cast %convert_element_type3A_12 : vector<1x1024xf32> to vector<1x1024xf32>
    %broadcast_in_dim3A_32 = vector.broadcast %broadcast_in_dim3A_31 : vector<1x1024xf32> to vector<4096x1024xf32>
    %broadcast_in_dim3A_33 = vector.broadcast %jit3A : f32 to vector<4096x1024xf32>
    %select_n3A = arith.select %eq3A_30, %broadcast_in_dim3A_32, %broadcast_in_dim3A_33 : vector<4096x1024xi1>, vector<4096x1024xf32>
    %reduce_min3A_34 = arith.constant dense<0x7F800000> : vector<4096xf32>
    %reduce_min3A_35 = vector.multi_reduction <minimumf>, %select_n3A, %reduce_min3A_34 [1] : vector<4096x1024xf32> to vector<4096xf32>
    %broadcast_in_dim3A_36 = vector.shape_cast %reduce_min3A_35 : vector<4096xf32> to vector<4096x1xf32>
    %mul3A_37 = arith.constant 4096 : i32
    %mul3A_38 = arith.muli %arg1, %mul3A_37 : i32
    %add3A_39 = arith.constant 0 : i32
    %add3A_40 = arith.addi %mul3A_38, %add3A_39 : i32
    %convert_element_type3A_41 = arith.sitofp %add3A_40 : i32 to f32
    %add3A_42 = vector.broadcast %convert_element_type3A_41 : f32 to vector<4096x1xf32>
    %add3A_43 = arith.addf %broadcast_in_dim3A_36, %add3A_42 : vector<4096x1xf32>
    %eq3A_44 = arith.constant 0 : i32
    %eq3A_45 = arith.cmpi eq, %arg1, %eq3A_44 : i32
    %convert_element_type3A_46 = arith.extui %eq3A_45 : i1 to i32
    %cond3A_47 = arith.constant 0 : i32
    %cond3A_48 = arith.cmpi ne, %convert_element_type3A_46, %cond3A_47 : i32
    scf.if %cond3A_48 {
      %swap3A_218 = arith.constant 0 : index
      %swap3A_219 = arith.constant 0 : index
      %swap3A_220 = vector.load %arg9[%swap3A_218, %swap3A_219] : memref<4096x1xf32, #tpu.memory_space<vmem>>, vector<4096x1xf32>
      tpu.vector_store %arg9[%swap3A_218, %swap3A_219], %broadcast_in_dim3A {strides = array<i32>} : memref<4096x1xf32, #tpu.memory_space<vmem>>, vector<4096x1xf32>,
      %swap3A_221 = arith.constant 0 : index
      %swap3A_222 = arith.constant 0 : index
      %swap3A_223 = vector.load %arg10[%swap3A_221, %swap3A_222] : memref<4096x1xf32, #tpu.memory_space<vmem>>, vector<4096x1xf32>
      tpu.vector_store %arg10[%swap3A_221, %swap3A_222], %add3A_43 {strides = array<i32>} : memref<4096x1xf32, #tpu.memory_space<vmem>>, vector<4096x1xf32>,
    } else {
    }
    %gt3A = arith.constant 0 : i32
    %gt3A_49 = arith.cmpi sgt, %arg1, %gt3A : i32
    %convert_element_type3A_50 = arith.extui %gt3A_49 : i1 to i32
    %cond3A_51 = arith.constant 0 : i32
    %cond3A_52 = arith.cmpi ne, %convert_element_type3A_50, %cond3A_51 : i32
    scf.if %cond3A_52 {
      %get3A_218 = arith.constant 0 : index
      %get3A_219 = arith.constant 0 : index
      %get3A_220 = vector.load %arg9[%get3A_218, %get3A_219] : memref<4096x1xf32, #tpu.memory_space<vmem>>, vector<4096x1xf32>
      %lt3A_221 = arith.cmpf olt, %broadcast_in_dim3A, %get3A_220 : vector<4096x1xf32>
      %select_n3A_222 = arith.select %lt3A_221, %broadcast_in_dim3A, %get3A_220 : vector<4096x1xi1>, vector<4096x1xf32>
      %swap3A_223 = arith.constant 0 : index
      %swap3A_224 = arith.constant 0 : index
      %swap3A_225 = vector.load %arg9[%swap3A_223, %swap3A_224] : memref<4096x1xf32, #tpu.memory_space<vmem>>, vector<4096x1xf32>
      tpu.vector_store %arg9[%swap3A_223, %swap3A_224], %select_n3A_222 {strides = array<i32>} : memref<4096x1xf32, #tpu.memory_space<vmem>>, vector<4096x1xf32>,
      %get3A_226 = arith.constant 0 : index
      %get3A_227 = arith.constant 0 : index
      %get3A_228 = vector.load %arg10[%get3A_226, %get3A_227] : memref<4096x1xf32, #tpu.memory_space<vmem>>, vector<4096x1xf32>
      %select_n3A_229 = arith.select %lt3A_221, %add3A_43, %get3A_228 : vector<4096x1xi1>, vector<4096x1xf32>
      %swap3A_230 = arith.constant 0 : index
      %swap3A_231 = arith.constant 0 : index
      %swap3A_232 = vector.load %arg10[%swap3A_230, %swap3A_231] : memref<4096x1xf32, #tpu.memory_space<vmem>>, vector<4096x1xf32>
      tpu.vector_store %arg10[%swap3A_230, %swap3A_231], %select_n3A_229 {strides = array<i32>} : memref<4096x1xf32, #tpu.memory_space<vmem>>, vector<4096x1xf32>,
    } else {
    }
    %get3A_53 = arith.constant 1024 : index
    %get3A_54 = arith.constant 0 : index
    %get3A_55 = vector.load %arg3[%get3A_53, %get3A_54] : memref<4096x256xf32, #tpu.memory_space<vmem>>, vector<1024x256xf32>
    %dot_general3A_56 = arith.constant dense<0.000000e+00> : vector<4096x1024xf32>
    %dot_general3A_57 = tpu.matmul %get3A_3, %get3A_55, %dot_general3A_56 {dimension_numbers = #tpu.dot_dimension_numbers<[1], [1], [0], [0], [0, 0, 1, 0], [], []>, transpose_lhs_hint = false} : vector<4096x256xf32>, vector<1024x256xf32>, vector<4096x1024xf32> -> vector<4096x1024xf32>
    %mul3A_58 = arith.constant 4096 : i32
    %mul3A_59 = arith.muli %arg1, %mul3A_58 : i32
    %add3A_60 = arith.constant 1024 : i32
    %add3A_61 = arith.addi %mul3A_59, %add3A_60 : i32
    %get3A_62 = arith.constant 0 : index
    %get3A_63 = arith.index_cast %add3A_61 : i32 to index
    %get3A_64 = vector.load %arg8[%get3A_62, %get3A_63] : memref<1x8192xf32, #tpu.memory_space<vmem>>, vector<1x1024xf32>
    %add3A_65 = vector.broadcast %get3A_11 : vector<4096x1xf32> to vector<4096x1024xf32>
    %add3A_66 = vector.broadcast %get3A_64 : vector<1x1024xf32> to vector<4096x1024xf32>
    %add3A_67 = arith.addf %add3A_65, %add3A_66 : vector<4096x1024xf32>
    %mul3A_68 = arith.constant 2.000000e+00 : f32
    %mul3A_69 = vector.broadcast %mul3A_68 : f32 to vector<4096x1024xf32>
    %mul3A_70 = arith.mulf %mul3A_69, %dot_general3A_57 : vector<4096x1024xf32>
    %sub3A_71 = arith.subf %add3A_67, %mul3A_70 : vector<4096x1024xf32>
    %reduce_min3A_72 = arith.constant dense<0x7F800000> : vector<4096xf32>
    %reduce_min3A_73 = vector.multi_reduction <minimumf>, %sub3A_71, %reduce_min3A_72 [1] : vector<4096x1024xf32> to vector<4096xf32>
    %broadcast_in_dim3A_74 = vector.shape_cast %reduce_min3A_73 : vector<4096xf32> to vector<4096x1xf32>
    %eq3A_75 = vector.broadcast %broadcast_in_dim3A_74 : vector<4096x1xf32> to vector<4096x1024xf32>
    %eq3A_76 = arith.cmpf oeq, %sub3A_71, %eq3A_75 : vector<4096x1024xf32>
    %jit3A_77 = arith.constant 8.192000e+03 : f32
    %broadcast_in_dim3A_78 = vector.shape_cast %convert_element_type3A_12 : vector<1x1024xf32> to vector<1x1024xf32>
    %broadcast_in_dim3A_79 = vector.broadcast %broadcast_in_dim3A_78 : vector<1x1024xf32> to vector<4096x1024xf32>
    %broadcast_in_dim3A_80 = vector.broadcast %jit3A_77 : f32 to vector<4096x1024xf32>
    %select_n3A_81 = arith.select %eq3A_76, %broadcast_in_dim3A_79, %broadcast_in_dim3A_80 : vector<4096x1024xi1>, vector<4096x1024xf32>
    %reduce_min3A_82 = arith.constant dense<0x7F800000> : vector<4096xf32>
    %reduce_min3A_83 = vector.multi_reduction <minimumf>, %select_n3A_81, %reduce_min3A_82 [1] : vector<4096x1024xf32> to vector<4096xf32>
    %broadcast_in_dim3A_84 = vector.shape_cast %reduce_min3A_83 : vector<4096xf32> to vector<4096x1xf32>
    %mul3A_85 = arith.constant 4096 : i32
    %mul3A_86 = arith.muli %arg1, %mul3A_85 : i32
    %add3A_87 = arith.constant 1024 : i32
    %add3A_88 = arith.addi %mul3A_86, %add3A_87 : i32
    %convert_element_type3A_89 = arith.sitofp %add3A_88 : i32 to f32
    %add3A_90 = vector.broadcast %convert_element_type3A_89 : f32 to vector<4096x1xf32>
    %add3A_91 = arith.addf %broadcast_in_dim3A_84, %add3A_90 : vector<4096x1xf32>
    %get3A_92 = arith.constant 0 : index
    %get3A_93 = arith.constant 0 : index
    %get3A_94 = vector.load %arg9[%get3A_92, %get3A_93] : memref<4096x1xf32, #tpu.memory_space<vmem>>, vector<4096x1xf32>
    %lt3A = arith.cmpf olt, %broadcast_in_dim3A_74, %get3A_94 : vector<4096x1xf32>
    %select_n3A_95 = arith.select %lt3A, %broadcast_in_dim3A_74, %get3A_94 : vector<4096x1xi1>, vector<4096x1xf32>
    %swap3A = arith.constant 0 : index
    %swap3A_96 = arith.constant 0 : index
    %swap3A_97 = vector.load %arg9[%swap3A, %swap3A_96] : memref<4096x1xf32, #tpu.memory_space<vmem>>, vector<4096x1xf32>
    tpu.vector_store %arg9[%swap3A, %swap3A_96], %select_n3A_95 {strides = array<i32>} : memref<4096x1xf32, #tpu.memory_space<vmem>>, vector<4096x1xf32>,
    %get3A_98 = arith.constant 0 : index
    %get3A_99 = arith.constant 0 : index
    %get3A_100 = vector.load %arg10[%get3A_98, %get3A_99] : memref<4096x1xf32, #tpu.memory_space<vmem>>, vector<4096x1xf32>
    %select_n3A_101 = arith.select %lt3A, %add3A_91, %get3A_100 : vector<4096x1xi1>, vector<4096x1xf32>
    %swap3A_102 = arith.constant 0 : index
    %swap3A_103 = arith.constant 0 : index
    %swap3A_104 = vector.load %arg10[%swap3A_102, %swap3A_103] : memref<4096x1xf32, #tpu.memory_space<vmem>>, vector<4096x1xf32>
    tpu.vector_store %arg10[%swap3A_102, %swap3A_103], %select_n3A_101 {strides = array<i32>} : memref<4096x1xf32, #tpu.memory_space<vmem>>, vector<4096x1xf32>,
    %get3A_105 = arith.constant 2048 : index
    %get3A_106 = arith.constant 0 : index
    %get3A_107 = vector.load %arg3[%get3A_105, %get3A_106] : memref<4096x256xf32, #tpu.memory_space<vmem>>, vector<1024x256xf32>
    %dot_general3A_108 = arith.constant dense<0.000000e+00> : vector<4096x1024xf32>
    %dot_general3A_109 = tpu.matmul %get3A_3, %get3A_107, %dot_general3A_108 {dimension_numbers = #tpu.dot_dimension_numbers<[1], [1], [0], [0], [0, 0, 1, 0], [], []>, transpose_lhs_hint = false} : vector<4096x256xf32>, vector<1024x256xf32>, vector<4096x1024xf32> -> vector<4096x1024xf32>
    %mul3A_110 = arith.constant 4096 : i32
    %mul3A_111 = arith.muli %arg1, %mul3A_110 : i32
    %add3A_112 = arith.constant 2048 : i32
    %add3A_113 = arith.addi %mul3A_111, %add3A_112 : i32
    %get3A_114 = arith.constant 0 : index
    %get3A_115 = arith.index_cast %add3A_113 : i32 to index
    %get3A_116 = vector.load %arg8[%get3A_114, %get3A_115] : memref<1x8192xf32, #tpu.memory_space<vmem>>, vector<1x1024xf32>
    %add3A_117 = vector.broadcast %get3A_11 : vector<4096x1xf32> to vector<4096x1024xf32>
    %add3A_118 = vector.broadcast %get3A_116 : vector<1x1024xf32> to vector<4096x1024xf32>
    %add3A_119 = arith.addf %add3A_117, %add3A_118 : vector<4096x1024xf32>
    %mul3A_120 = arith.constant 2.000000e+00 : f32
    %mul3A_121 = vector.broadcast %mul3A_120 : f32 to vector<4096x1024xf32>
    %mul3A_122 = arith.mulf %mul3A_121, %dot_general3A_109 : vector<4096x1024xf32>
    %sub3A_123 = arith.subf %add3A_119, %mul3A_122 : vector<4096x1024xf32>
    %reduce_min3A_124 = arith.constant dense<0x7F800000> : vector<4096xf32>
    %reduce_min3A_125 = vector.multi_reduction <minimumf>, %sub3A_123, %reduce_min3A_124 [1] : vector<4096x1024xf32> to vector<4096xf32>
    %broadcast_in_dim3A_126 = vector.shape_cast %reduce_min3A_125 : vector<4096xf32> to vector<4096x1xf32>
    %eq3A_127 = vector.broadcast %broadcast_in_dim3A_126 : vector<4096x1xf32> to vector<4096x1024xf32>
    %eq3A_128 = arith.cmpf oeq, %sub3A_123, %eq3A_127 : vector<4096x1024xf32>
    %jit3A_129 = arith.constant 8.192000e+03 : f32
    %broadcast_in_dim3A_130 = vector.shape_cast %convert_element_type3A_12 : vector<1x1024xf32> to vector<1x1024xf32>
    %broadcast_in_dim3A_131 = vector.broadcast %broadcast_in_dim3A_130 : vector<1x1024xf32> to vector<4096x1024xf32>
    %broadcast_in_dim3A_132 = vector.broadcast %jit3A_129 : f32 to vector<4096x1024xf32>
    %select_n3A_133 = arith.select %eq3A_128, %broadcast_in_dim3A_131, %broadcast_in_dim3A_132 : vector<4096x1024xi1>, vector<4096x1024xf32>
    %reduce_min3A_134 = arith.constant dense<0x7F800000> : vector<4096xf32>
    %reduce_min3A_135 = vector.multi_reduction <minimumf>, %select_n3A_133, %reduce_min3A_134 [1] : vector<4096x1024xf32> to vector<4096xf32>
    %broadcast_in_dim3A_136 = vector.shape_cast %reduce_min3A_135 : vector<4096xf32> to vector<4096x1xf32>
    %mul3A_137 = arith.constant 4096 : i32
    %mul3A_138 = arith.muli %arg1, %mul3A_137 : i32
    %add3A_139 = arith.constant 2048 : i32
    %add3A_140 = arith.addi %mul3A_138, %add3A_139 : i32
    %convert_element_type3A_141 = arith.sitofp %add3A_140 : i32 to f32
    %add3A_142 = vector.broadcast %convert_element_type3A_141 : f32 to vector<4096x1xf32>
    %add3A_143 = arith.addf %broadcast_in_dim3A_136, %add3A_142 : vector<4096x1xf32>
    %get3A_144 = arith.constant 0 : index
    %get3A_145 = arith.constant 0 : index
    %get3A_146 = vector.load %arg9[%get3A_144, %get3A_145] : memref<4096x1xf32, #tpu.memory_space<vmem>>, vector<4096x1xf32>
    %lt3A_147 = arith.cmpf olt, %broadcast_in_dim3A_126, %get3A_146 : vector<4096x1xf32>
    %select_n3A_148 = arith.select %lt3A_147, %broadcast_in_dim3A_126, %get3A_146 : vector<4096x1xi1>, vector<4096x1xf32>
    %swap3A_149 = arith.constant 0 : index
    %swap3A_150 = arith.constant 0 : index
    %swap3A_151 = vector.load %arg9[%swap3A_149, %swap3A_150] : memref<4096x1xf32, #tpu.memory_space<vmem>>, vector<4096x1xf32>
    tpu.vector_store %arg9[%swap3A_149, %swap3A_150], %select_n3A_148 {strides = array<i32>} : memref<4096x1xf32, #tpu.memory_space<vmem>>, vector<4096x1xf32>,
    %get3A_152 = arith.constant 0 : index
    %get3A_153 = arith.constant 0 : index
    %get3A_154 = vector.load %arg10[%get3A_152, %get3A_153] : memref<4096x1xf32, #tpu.memory_space<vmem>>, vector<4096x1xf32>
    %select_n3A_155 = arith.select %lt3A_147, %add3A_143, %get3A_154 : vector<4096x1xi1>, vector<4096x1xf32>
    %swap3A_156 = arith.constant 0 : index
    %swap3A_157 = arith.constant 0 : index
    %swap3A_158 = vector.load %arg10[%swap3A_156, %swap3A_157] : memref<4096x1xf32, #tpu.memory_space<vmem>>, vector<4096x1xf32>
    tpu.vector_store %arg10[%swap3A_156, %swap3A_157], %select_n3A_155 {strides = array<i32>} : memref<4096x1xf32, #tpu.memory_space<vmem>>, vector<4096x1xf32>,
    %get3A_159 = arith.constant 3072 : index
    %get3A_160 = arith.constant 0 : index
    %get3A_161 = vector.load %arg3[%get3A_159, %get3A_160] : memref<4096x256xf32, #tpu.memory_space<vmem>>, vector<1024x256xf32>
    %dot_general3A_162 = arith.constant dense<0.000000e+00> : vector<4096x1024xf32>
    %dot_general3A_163 = tpu.matmul %get3A_3, %get3A_161, %dot_general3A_162 {dimension_numbers = #tpu.dot_dimension_numbers<[1], [1], [0], [0], [0, 0, 1, 0], [], []>, transpose_lhs_hint = false} : vector<4096x256xf32>, vector<1024x256xf32>, vector<4096x1024xf32> -> vector<4096x1024xf32>
    %mul3A_164 = arith.constant 4096 : i32
    %mul3A_165 = arith.muli %arg1, %mul3A_164 : i32
    %add3A_166 = arith.constant 3072 : i32
    %add3A_167 = arith.addi %mul3A_165, %add3A_166 : i32
    %get3A_168 = arith.constant 0 : index
    %get3A_169 = arith.index_cast %add3A_167 : i32 to index
    %get3A_170 = vector.load %arg8[%get3A_168, %get3A_169] : memref<1x8192xf32, #tpu.memory_space<vmem>>, vector<1x1024xf32>
    %add3A_171 = vector.broadcast %get3A_11 : vector<4096x1xf32> to vector<4096x1024xf32>
    %add3A_172 = vector.broadcast %get3A_170 : vector<1x1024xf32> to vector<4096x1024xf32>
    %add3A_173 = arith.addf %add3A_171, %add3A_172 : vector<4096x1024xf32>
    %mul3A_174 = arith.constant 2.000000e+00 : f32
    %mul3A_175 = vector.broadcast %mul3A_174 : f32 to vector<4096x1024xf32>
    %mul3A_176 = arith.mulf %mul3A_175, %dot_general3A_163 : vector<4096x1024xf32>
    %sub3A_177 = arith.subf %add3A_173, %mul3A_176 : vector<4096x1024xf32>
    %reduce_min3A_178 = arith.constant dense<0x7F800000> : vector<4096xf32>
    %reduce_min3A_179 = vector.multi_reduction <minimumf>, %sub3A_177, %reduce_min3A_178 [1] : vector<4096x1024xf32> to vector<4096xf32>
    %broadcast_in_dim3A_180 = vector.shape_cast %reduce_min3A_179 : vector<4096xf32> to vector<4096x1xf32>
    %eq3A_181 = vector.broadcast %broadcast_in_dim3A_180 : vector<4096x1xf32> to vector<4096x1024xf32>
    %eq3A_182 = arith.cmpf oeq, %sub3A_177, %eq3A_181 : vector<4096x1024xf32>
    %jit3A_183 = arith.constant 8.192000e+03 : f32
    %broadcast_in_dim3A_184 = vector.shape_cast %convert_element_type3A_12 : vector<1x1024xf32> to vector<1x1024xf32>
    %broadcast_in_dim3A_185 = vector.broadcast %broadcast_in_dim3A_184 : vector<1x1024xf32> to vector<4096x1024xf32>
    %broadcast_in_dim3A_186 = vector.broadcast %jit3A_183 : f32 to vector<4096x1024xf32>
    %select_n3A_187 = arith.select %eq3A_182, %broadcast_in_dim3A_185, %broadcast_in_dim3A_186 : vector<4096x1024xi1>, vector<4096x1024xf32>
    %reduce_min3A_188 = arith.constant dense<0x7F800000> : vector<4096xf32>
    %reduce_min3A_189 = vector.multi_reduction <minimumf>, %select_n3A_187, %reduce_min3A_188 [1] : vector<4096x1024xf32> to vector<4096xf32>
    %broadcast_in_dim3A_190 = vector.shape_cast %reduce_min3A_189 : vector<4096xf32> to vector<4096x1xf32>
    %mul3A_191 = arith.constant 4096 : i32
    %mul3A_192 = arith.muli %arg1, %mul3A_191 : i32
    %add3A_193 = arith.constant 3072 : i32
    %add3A_194 = arith.addi %mul3A_192, %add3A_193 : i32
    %convert_element_type3A_195 = arith.sitofp %add3A_194 : i32 to f32
    %add3A_196 = vector.broadcast %convert_element_type3A_195 : f32 to vector<4096x1xf32>
    %add3A_197 = arith.addf %broadcast_in_dim3A_190, %add3A_196 : vector<4096x1xf32>
    %get3A_198 = arith.constant 0 : index
    %get3A_199 = arith.constant 0 : index
    %get3A_200 = vector.load %arg9[%get3A_198, %get3A_199] : memref<4096x1xf32, #tpu.memory_space<vmem>>, vector<4096x1xf32>
    %lt3A_201 = arith.cmpf olt, %broadcast_in_dim3A_180, %get3A_200 : vector<4096x1xf32>
    %select_n3A_202 = arith.select %lt3A_201, %broadcast_in_dim3A_180, %get3A_200 : vector<4096x1xi1>, vector<4096x1xf32>
    %swap3A_203 = arith.constant 0 : index
    %swap3A_204 = arith.constant 0 : index
    %swap3A_205 = vector.load %arg9[%swap3A_203, %swap3A_204] : memref<4096x1xf32, #tpu.memory_space<vmem>>, vector<4096x1xf32>
    tpu.vector_store %arg9[%swap3A_203, %swap3A_204], %select_n3A_202 {strides = array<i32>} : memref<4096x1xf32, #tpu.memory_space<vmem>>, vector<4096x1xf32>,
    %get3A_206 = arith.constant 0 : index
    %get3A_207 = arith.constant 0 : index
    %get3A_208 = vector.load %arg10[%get3A_206, %get3A_207] : memref<4096x1xf32, #tpu.memory_space<vmem>>, vector<4096x1xf32>
    %select_n3A_209 = arith.select %lt3A_201, %add3A_197, %get3A_208 : vector<4096x1xi1>, vector<4096x1xf32>
    %swap3A_210 = arith.constant 0 : index
    %swap3A_211 = arith.constant 0 : index
    %swap3A_212 = vector.load %arg10[%swap3A_210, %swap3A_211] : memref<4096x1xf32, #tpu.memory_space<vmem>>, vector<4096x1xf32>
    tpu.vector_store %arg10[%swap3A_210, %swap3A_211], %select_n3A_209 {strides = array<i32>} : memref<4096x1xf32, #tpu.memory_space<vmem>>, vector<4096x1xf32>,
    %eq3A_213 = arith.constant 1 : i32
    %eq3A_214 = arith.cmpi eq, %arg1, %eq3A_213 : i32
    %convert_element_type3A_215 = arith.extui %eq3A_214 : i1 to i32
    %cond3A_216 = arith.constant 0 : i32
    %cond3A_217 = arith.cmpi ne, %convert_element_type3A_215, %cond3A_216 : i32
    scf.if %cond3A_217 {
      %get3A_218 = arith.constant 0 : index
      %get3A_219 = arith.constant 0 : index
      %get3A_220 = vector.load %arg10[%get3A_218, %get3A_219] : memref<4096x1xf32, #tpu.memory_space<vmem>>, vector<4096x1xf32>
      %convert_element_type3A_221 = arith.fptosi %get3A_220 : vector<4096x1xf32> to vector<4096x1xi32>
      %swap3A_222 = arith.constant 0 : index
      %swap3A_223 = arith.constant 0 : index
      %swap3A_224 = arith.constant 0 : index
      %swap3A_225 = vector.load %arg4[%swap3A_222, %swap3A_223, %swap3A_224] : memref<1x4096x1xi32, #tpu.memory_space<vmem>>, vector<1x4096x1xi32>
      %swap3A_226 = vector.shape_cast %swap3A_225 : vector<1x4096x1xi32> to vector<4096x1xi32>
      %swap3A_227 = vector.shape_cast %convert_element_type3A_221 : vector<4096x1xi32> to vector<1x4096x1xi32>
      tpu.vector_store %arg4[%swap3A_222, %swap3A_223, %swap3A_224], %swap3A_227 {strides = array<i32>} : memref<1x4096x1xi32, #tpu.memory_space<vmem>>, vector<1x4096x1xi32>,
      %get3A_228 = arith.constant 0 : index
      %get3A_229 = arith.constant 0 : index
      %get3A_230 = vector.load %arg9[%get3A_228, %get3A_229] : memref<4096x1xf32, #tpu.memory_space<vmem>>, vector<4096x1xf32>
      %reduce_sum3A = vector.shape_cast %get3A_230 : vector<4096x1xf32> to vector<1x4096x1xf32>
      %reduce_sum3A_231 = arith.constant dense<0.000000e+00> : vector<1xf32>
      %reduce_sum3A_232 = vector.multi_reduction <add>, %reduce_sum3A, %reduce_sum3A_231 [1, 2] : vector<1x4096x1xf32> to vector<1xf32>
      %reduce_sum3A_233 = vector.shape_cast %reduce_sum3A_232 : vector<1xf32> to vector<1x1x1xf32>
      %reduce_sum3A_234 = vector.extract %reduce_sum3A_233[0, 0, 0] : f32 from vector<1x1x1xf32>
      %eq3A_235 = arith.constant 0 : i32
      %eq3A_236 = arith.cmpi eq, %arg0, %eq3A_235 : i32
      %get3A_237 = arith.constant 0 : index
      %get3A_238 = arith.constant 0 : index
      %get3A_239 = memref.load %arg5[%get3A_237, %get3A_238] : memref<1x1xf32, #tpu.memory_space<smem>>
      %jit3A_240 = arith.constant 0.000000e+00 : f32
      %select_n3A_241 = arith.select %eq3A_236, %jit3A_240, %get3A_239 : f32
      %add3A_242 = arith.addf %select_n3A_241, %reduce_sum3A_234 : f32
      %mul3A_243 = arith.constant 4.76837158E-7 : f32
      %mul3A_244 = arith.mulf %add3A_242, %mul3A_243 : f32
      %eq3A_245 = arith.constant 1 : i32
      %eq3A_246 = arith.cmpi eq, %arg0, %eq3A_245 : i32
      %mul3A_247 = arith.constant 2.500000e-01 : f32
      %mul3A_248 = arith.mulf %mul3A_247, %mul3A_244 : f32
      %add3A_249 = arith.addf %mul3A_244, %mul3A_248 : f32
      %select_n3A_250 = arith.select %eq3A_246, %add3A_249, %add3A_242 : f32
      %swap3A_251 = arith.constant 0 : index
      %swap3A_252 = arith.constant 0 : index
      %swap3A_253 = memref.load %arg5[%swap3A_251, %swap3A_252] : memref<1x1xf32, #tpu.memory_space<smem>>
      memref.store %select_n3A_250, %arg5[%swap3A_251, %swap3A_252] : memref<1x1xf32, #tpu.memory_space<smem>>
    } else {
    }
    return
  }
  func.func @transform_0(%arg0: i32, %arg1: i32) -> (i32, i32, i32) {
    %c0_i32 = arith.constant 0 : i32
    %c0_i32_0 = arith.constant 0 : i32
    %c0_i32_1 = arith.constant 0 : i32
    return %arg0, %c0_i32, %c0_i32_0 : i32, i32, i32
  }
  func.func @transform_1(%arg0: i32, %arg1: i32) -> (i32, i32) {
    %c0_i32 = arith.constant 0 : i32
    %c0_i32_0 = arith.constant 0 : i32
    return %arg1, %c0_i32 : i32, i32
  }
  func.func @transform_2(%arg0: i32, %arg1: i32) -> (i32, i32, i32) {
    %c0_i32 = arith.constant 0 : i32
    %c0_i32_0 = arith.constant 0 : i32
    %c0_i32_1 = arith.constant 0 : i32
    return %arg0, %c0_i32, %c0_i32_0 : i32, i32, i32
  }
  func.func @transform_3(%arg0: i32, %arg1: i32) -> (i32, i32) {
    %c0_i32 = arith.constant 0 : i32
    %c0_i32_0 = arith.constant 0 : i32
    %c0_i32_1 = arith.constant 0 : i32
    return %c0_i32, %c0_i32_0 : i32, i32
  }
}

</mosaic_0001>

<sc_bundles>
// kernel: kernel.4.cloned.1.call-start
scs
__scs_entry_jumppad:
0x0: {  	(pc) =	sbr.rel $0x88, $3  }
0x1: {  	(tag) =	ssettag $0x0;
	lr =	simm.s32 $0x1  }
0x2: {  	[smem:$0x3F9F] =	sst lr;
	_ =	strace $0xD0000000  }
0x3: {  	_ = 	snop  }
0x4: {  	_ = 	snop  }
0x5: {  	_ = 	snop  }
0x6: {  	_ = 	snop  }
0x7: {  	_ = 	snop  }
__scs_overlays_trampoline_lowered:
0x8: {  	[smem:$0x3FAE] =	sst s0  }
0x9: {  	[smem:$0x3FAF] =	sst s1  }
0xa: {  	[smem:$0x3FB0] =	sst s2  }
0xb: {  	[smem:$0x3FB1] =	sst s3  }
0xc: {  	[smem:$0x3FB2] =	sst s4  }
0xd: {  	[smem:$0x3FB3] =	sst s5  }
0xe: {  	[smem:$0x3FB4] =	sst s6  }
0xf: {  	[smem:$0x3FB5] =	sst s7  }
0x10: {  	[smem:$0x3FB6] =	sst s8  }
0x11: {  	[smem:$0x3FB7] =	sst s9;
	s0 =	simm.s32 @!p0 $0x0  }
0x12: {  	s1 =	sld [smem:$0x3F9D];
	s0 =	simm.s32 @p0 $0x1  }
0x13: {  	[smem:$0x3FB8] =	sst s0;
	s0 =	simm.s32 @!p1 $0x0  }
0x14: {  	s2 =	sld [smem:$0x3F9C];
	s0 =	simm.s32 @p1 $0x1  }
0x15: {  	[smem:$0x3FB9] =	sst s0;
	s0 =	simm.s32 @!p2 $0x0  }
0x16: {  	s3 =	sld [smem:$0x3FDB];
	s0 =	simm.s32 @p2 $0x1  }
0x17: {  	s4 =	simm.s32 $0x1BF5;
	[smem:$0x3FBB] =	sst s0  }
0x18: {  	s0 =	sld [smem:$0x3F9E];
	_ =	swait.ge [sflag:s4], $0x0  }
0x19: {  	s7 =	sld [smem:$0x3F9F]  }
0x1a: {  	s8 =	sadd.s32 $0xFFFFE003, lr  }
0x1b: {  	s9 =	sadd.s32 $0xFFFFFEF7, lr;
	s5 =	simm.s32 $0xFFFFFFFF;
	p2 =	slt.u32 s8, $0xFFFFF086  }
0x1c: {  	p1 =	slt.u32 s9, $0xF7A;
	s5 =	simm.s32 @!p2 $0x0  }
0x1d: {  	s5 =	simm.s32 @p1 $0x1;
	p0 =	seq.s32 s7, s2  }
0x1e: {  	s7 =	smul.u32 @!p0 $0xF7A, s2;
	p2 =	seq.s32 @!p0 s5, $0x0  }
0x1f: {  	s9 =	smul.u32 $0xF7A, s1;
	s8 =	simm.s32 @!p0 $0x1BF5;
	p2 =	por !p2, p0  }
0x20: {  	[sflag:s8] =	ssyncset.s32 @!p0 $0xFFFFF086;
	s6 =	sadd.s32 @!p0 s3, s7;
	s7 =	simm.s32 @!p0 $0x108  }
0x21: {  	s3 =	sadd.s32 s3, s9;
	s6 =	sadd.s32 @!p0 $0x88, s6;
	s7 =	simm.s32 @p2 $0x1082  }
0x22: {  	[simem:s7], [sflag:s8] =	dma.local @!p0 [hbm:s6], $0xF7A  }
0x23: {  	s9 =	sor.u32 $0xD0000000, s2;
	s6 =	simm.s32 $0x108;
	_ =	swait.ge @!p0 [sflag:s8], $0x0  }
0x24: {  	s3 =	sadd.s32 $0x88, s3;
	s6 =	simm.s32 @!p1 $0x1082;
	[sflag:s4] =	ssyncset.s32 $0xFFFFF086  }
0x25: {  	[simem:s6], [sflag:s4] =	dma.local [hbm:s3], $0xF7A  }
0x26: {  	[smem:$0x3F9F] =	sst s1;
	(tag) =	ssettag s2;
	_ =	strace s9  }
0x27: {  	s1 =	sld [smem:$0x3FAF]  }
0x28: {  	s2 =	sld [smem:$0x3FB0]  }
0x29: {  	s4 =	sld [smem:$0x3FB2]  }
0x2a: {  	p0 =	seq.s32 s5, $0x0;
	s5 =	sld [smem:$0x3FB3]  }
0x2b: {  	s6 =	sld [smem:$0x3FB4]  }
0x2c: {  	s7 =	sld [smem:$0x3FB5]  }
0x2d: {  	s3 =	simm.s32 $0x108;
	s8 =	sld [smem:$0x3FB6]  }
0x2e: {  	s3 =	simm.s32 @!p0 $0x1082;
	s9 =	sld [smem:$0x3FB7]  }
0x2f: {  	lr =	sadd.s32 s0, s3;
	s0 =	sld [smem:$0x3FAE]  }
0x30: {  	s3 =	sld [smem:$0x3FB1]  }
0x31: {  	[smem:$0x3FBA] =	sst s10  }
0x32: {  	s10 =	sld [smem:$0x3FB8];
	_ =	sdelay $0x3  }
0x33: {  	p0 =	seq.s32 s10, $0x1;
	s10 =	sld [smem:$0x3FBA];
	_ =	sdelay $0x3  }
0x34: {  	[smem:$0x3FBA] =	sst s10  }
0x35: {  	s10 =	sld [smem:$0x3FB9];
	_ =	sdelay $0x3  }
0x36: {  	p1 =	seq.s32 s10, $0x1;
	s10 =	sld [smem:$0x3FBA];
	_ =	sdelay $0x3  }
0x37: {  	[smem:$0x3FBA] =	sst s10  }
0x38: {  	s10 =	sld [smem:$0x3FBB]  }
0x39: {  	_ = 	snop;
	(pc) =	sbr.ind lr, $3  }
0x3a: {  	_ = 	snop  }
0x3b: {  	_ = 	snop  }
0x3c: {  	p2 =	seq.s32 s10, $0x1;
	s10 =	sld [smem:$0x3FBA]  }
0x3d: {  	_ =	shalt  }
0x3e: {  	_ =	shalt  }
0x3f: {  	_ =	shalt  }
0x40: {  	_ =	shalt  }
0x41: {  	_ =	shalt  }
0x42: {  	_ =	shalt  }
0x43: {  	_ =	shalt  }
0x44: {  	_ =	shalt  }
0x45: {  	_ =	shalt  }
0x46: {  	_ =	shalt  }
0x47: {  	_ =	shalt  }
0x48: {  	_ =	shalt  }
0x49: {  	_ =	shalt  }
0x4a: {  	_ =	shalt  }
0x4b: {  	_ =	shalt  }
0x4c: {  	_ =	shalt  }
0x4d: {  	_ =	shalt  }
0x4e: {  	_ =	shalt  }
0x4f: {  	_ =	shalt  }
0x50: {  	_ =	shalt  }
0x51: {  	_ =	shalt  }
0x52: {  	_ =	shalt  }
0x53: {  	_ =	shalt  }
0x54: {  	_ =	shalt  }
0x55: {  	_ =	shalt  }
0x56: {  	_ =	shalt  }
0x57: {  	_ =	shalt  }
0x58: {  	_ =	shalt  }
0x59: {  	_ =	shalt  }
0x5a: {  	_ =	shalt  }
0x5b: {  	_ =	shalt  }
0x5c: {  	_ =	shalt  }
0x5d: {  	_ =	shalt  }
0x5e: {  	_ =	shalt  }
0x5f: {  	_ =	shalt  }
0x60: {  	_ =	shalt  }
0x61: {  	_ =	shalt  }
0x62: {  	_ =	shalt  }
0x63: {  	_ =	shalt  }
0x64: {  	_ =	shalt  }
0x65: {  	_ =	shalt  }
0x66: {  	_ =	shalt  }
0x67: {  	_ =	shalt  }
0x68: {  	_ =	shalt  }
0x69: {  	_ =	shalt  }
0x6a: {  	_ =	shalt  }
0x6b: {  	_ =	shalt  }
0x6c: {  	_ =	shalt  }
0x6d: {  	_ =	shalt  }
0x6e: {  	_ =	shalt  }
0x6f: {  	_ =	shalt  }
0x70: {  	_ =	shalt  }
0x71: {  	_ =	shalt  }
0x72: {  	_ =	shalt  }
0x73: {  	_ =	shalt  }
0x74: {  	_ =	shalt  }
0x75: {  	_ =	shalt  }
0x76: {  	_ =	shalt  }
0x77: {  	_ =	shalt  }
0x78: {  	_ =	shalt  }
0x79: {  	_ =	shalt  }
0x7a: {  	_ =	shalt  }
0x7b: {  	_ =	shalt  }
0x7c: {  	_ =	shalt  }
0x7d: {  	_ =	shalt  }
0x7e: {  	_ =	shalt  }
0x7f: {  	_ =	shalt  }
0x80: {  	_ =	shalt  }
0x81: {  	_ =	shalt  }
0x82: {  	_ =	shalt  }
0x83: {  	_ =	shalt  }
0x84: {  	_ =	shalt  }
0x85: {  	_ =	shalt  }
0x86: {  	_ =	shalt  }
0x87: {  	_ =	shalt  }
.Lfunc_end0:
.L_simem_size_0:
called_computation_lowered:
.L_overlay_start_0:
0x88: {  	s2 =	sld [smem:$0x3FD9]  }
0x89: {  	s3 =	sld [smem:$0x3FFE];
	_ =	sdelay $0x1  }
0x8a: {  	s1 =	srdreg.scid  }
0x8b: {  	s0 =	sand.u32 $0x1, s1  }
0x8c: {  	s14 =	sshll.u32 s0, $0xA;
	s2 =	sadd.s32 s3, s2  }
0x8d: {  	s2 =	sadd.s32 s2, s14  }
0x8e: {  	[smem:$0x3FC6] =	sst s2  }
0x8f: {  	_ = 	snop  }
0x90: {  	s2 =	sld [smem:$0x3FD0];
	_ =	sdelay $0x2  }
0x91: {  	s4 =	simm.s32 $0xA;
	s5 =	simm.s32 $0x10;
	s15 =	sld [smem:$0x3FC8]  }
0x92: {  	[smem:s5], [sflag:s4] =	dma.local [hbm:s2], $0x1  }
0x93: {  	_ =	swait.eq [sflag:s4], $0x1  }
0x94: {  	[sflag:s4] =	ssyncset.done $0x0  }
0x95: {  	[sflag:s4] =	ssyncadd.s32 $0xFFFFFFFF  }
0x96: {  	s16 =	sld [smem:$0x10];
	(tm) =	ssettm $0x1  }
0x97: {  	s17 =	sld [smem:$0x3FFB];
	_ =	sdelay $0x3  }
0x98: {  	_ =	strace s17  }
0x99: {  	s4 =	sld [smem:$0x3FFC];
	_ =	sdelay $0x3  }
0x9a: {  	_ =	strace s4  }
0x9b: {  	s4 =	sld [smem:$0x3FFD];
	_ =	sdelay $0x3  }
0x9c: {  	_ =	strace s4  }
0x9d: {  	_ =	strace $0x8FFFFFFF  }
0x9e: {  	s18 =	sld [smem:$0x3FDB];
	_ =	sdelay $0x1  }
0x9f: {  	s19 =	simm.s32 $_scs_section_size  }
0xa0: {  	s6 =	simm.s32 $_size__tile_overlayer_lowered;
	s7 =	simm.s32 $_tile_overlayer_lowered  }
0xa1: {  	s22 =	simm.s32 $0x1BFF;
	s21 =	sshll.u32 s7, $0x1;
	s4 =	sadd.s32 s19, s18  }
0xa2: {  	s8 =	simm.s32 $0x0;
	s20 =	sshll.u32 s6, $0x1;
	s6 =	sadd.s32 s21, s4  }
0xa3: {  	[timem:s8], [sflag:s22] =	dma.local [hbm:s6], s20  }
0xa4: {  	_ =	swait.ge [sflag:s22], s20  }
0xa5: {  	s5 =	ssub.s32 $0x0, s20;
	[sflag:s22] =	ssyncset.done $0x0  }
0xa6: {  	[sflag:s22] =	ssyncadd.s32 s5;
	_ =	sdelay $0x1  }
0xa7: {  	s23 =	simm.s32 $0x1B8B  }
0xa8: {  	_ =	swait.ge [sflag:s23], $0x1  }
0xa9: {  	[sflag:s23] =	ssyncset.done $0x0  }
0xaa: {  	s25 =	simm.s32 $0x1B8E;
	s24 =	sld [smem:$0x3FFE];
	[sflag:s23] =	ssyncadd.s32 $0xFFFFFFFF  }
0xab: {  	s26 =	simm.s32 $execute0_lowered;
	[smem:$0x3FD2] =	sst s25  }
0xac: {  	s6 =	sshll.u32 s26, $0x1;
	_ =	strace $0x80000046;
	[dreg:$0x1] =	wrdreg $0xFFFFFFFF  }
0xad: {  	s28 =	simm.s32 $_size_execute0_lowered;
	s4 =	sadd.s32 s4, s6;
	[dreg:$0x0] =	wrdreg $0x0  }
0xae: {  	s6 =	sshll.u32 s28, $0x1;
	[dreg:$0x2] =	wrdreg s4  }
0xaf: {  	[dreg:$0x3] =	wrdreg s6  }
0xb0: {  	[dreg:$0x4] =	wrdreg $0xC0  }
0xb1: {  	_ =	task [dreg:s8], $0x5FFFF  }
0xb2: {  	[dreg:$0x1] =	wrdreg $0xFFFFFFFF  }
0xb3: {  	[dreg:$0x0] =	wrdreg $0x60  }
0xb4: {  	[dreg:$0x2] =	wrdreg s15  }
0xb5: {  	[dreg:$0x3] =	wrdreg s24  }
0xb6: {  	[dreg:$0x4] =	wrdreg s16  }
0xb7: {  	[dreg:$0x5] =	wrdreg $0x9  }
0xb8: {  	_ =	task.clear_ibuf [dreg:s8], $0x6FFFF;
	_ =	strace $0x90000046  }
0xb9: {  	s29 =	simm.s32 $0x9;
	_ =	strace $0x80000048  }
0xba: {  	_ =	swait.ge [sflag:s29], $0x1  }
0xbb: {  	[sflag:s29] =	ssyncadd.s32 $0xFFFFFFFF  }
0xbc: {  	_ =	strace $0x90000048  }
0xbd: {  	_ =	sfence  }
0xbe: {  	s30 =	sld [smem:$0x0];
	_ =	sdelay $0x2  }
0xbf: {  	s31 =	sshll.u32 s1, $0xD;
	s1 =	sshrl.u32 s1, $0x2  }
0xc0: {  	s3 =	sand.u32 $0x4000, s31;
	s1 =	sadd.s32 s1, s30  }
0xc1: {  	s0 =	sor.u32 s3, s0;
	s1 =	sshll.u32 s1, $0x11  }
0xc2: {  	s0 =	sor.u32 s1, s0  }
0xc3: {  	s0 =	sadd.s32 $0x8F2B, s0  }
0xc4: {  	[sflag:s0] =	ssyncadd.remote.s32 $0x1  }
0xc5: {  	_ =	sfence.sel $0xFFFF  }
0xc6: {  	[dreg:$0x0] =	wrdreg $0xFFFFFFFF;
	(pc) =	sbr.abs _section_cstart, $3  }
0xc7: {  	[dreg:$0x1] =	wrdreg $0xFFFFFFFF  }
0xc8: {  	_ =	task.clear_ibuf [dreg:s8], $0x2FFFF;
	_ =	strace $0x9FFFFFFF  }
0xc9: {  	(tm) =	ssettm $0x7FFFFFFF  }
tec
execute0_lowered:
.L_overlay_start_1:
0x0: {  	(tag) =	ssettag $0x1  }
0x1: {  	s1 =	rddreg [dreg:$0x0]  }
0x2: {  	s2 =	srdreg.scid;
	s4 =	rddreg [dreg:$0x1]  }
0x3: {  	s0 =	stileid.u32;
	s6 =	rddreg [dreg:$0x2];
	s19 =	simm.s32 $0x900  }
0x4: {  	s20 =	simm.s32 $0x1100;
	s21 =	simm.s32 $0x1900;
	s23 =	simm.s32 $0x2100  }
0x5: {  	s24 =	simm.s32 $0x2900;
	s25 =	simm.s32 $0x3100;
	s26 =	simm.s32 $0x3900  }
0x6: {  	s8 =	simm.s32 $0x4900;
	s9 =	simm.s32 $0x5100;
	s10 =	simm.s32 $0x5900  }
0x7: {  	s11 =	simm.s32 $0x6100;
	s12 =	simm.s32 $0x6900;
	s13 =	simm.s32 $0x7100  }
0x8: {  	s14 =	simm.s32 $0x7900;
	s15 =	simm.s32 $0x8100;
	s2 =	sand.u32 $0x1, s2  }
0x9: {  	s16 =	simm.s32 $0x8900;
	s3 =	sshll.u32 s0, $0x9;
	s5 =	sshll.u32 s2, $0x8  }
0xa: {  	s17 =	simm.s32 $0x9100;
	s5 =	sor.u32 s5, s3;
	s3 =	simm.s32 $0x0  }
0xb: {  	s28 =	simm.s32 $0xE100;
	s29 =	simm.s32 $0xE900;
	[smem:$0x7FF] =	sst s3  }
0xc: {  	s30 =	simm.s32 $0xF100;
	_ =	strace $0x80000047;
	[dreg:$0x6] =	wrdreg s19  }
0xd: {  	s31 =	simm.s32 $0xF900;
	s2 =	ssub.s32 $0x2, s2;
	[dreg:$0x7] =	wrdreg s20  }
0xe: {  	s22 =	sshrl.u32 s2, $0x1;
	s7 =	sshrl.u32 s5, $0x3;
	[dreg:$0x8] =	wrdreg s21  }
0xf: {  	s5 =	sshll.u32 s5, $0x5;
	s2 =	ssub.s32 s2, s22;
	[dreg:$0x9] =	wrdreg s23  }
0x10: {  	s22 =	simm.s32 $0xB900;
	s4 =	sadd.s32 s7, s4;
	[dreg:$0xa] =	wrdreg s24  }
0x11: {  	s18 =	sadd.s32 s6, s5;
	s5 =	simm.s32 $0x2;
	[dreg:$0xb] =	wrdreg s25  }
0x12: {  	s6 =	simm.s32 $0x100;
	[dreg:$0xc] =	wrdreg s26;
	s19 =	simm.s32 $0xA100  }
0x13: {  	s20 =	simm.s32 $0xA900;
	s21 =	simm.s32 $0xB100;
	s23 =	simm.s32 $0xC100  }
0x14: {  	v2 =	vlaneseq.u32;
	s24 =	simm.s32 $0xC900;
	s25 =	simm.s32 $0xD100;
	s26 =	simm.s32 $0xD900  }
0x15: {  	vm0 =	vmmov $0xffff;
	v1 =	vshrl.u32 v2, $0x3;
	s4 =	sadd.s32 $0x400, s4;
	[dreg:$0x5] =	wrdreg s18;
	s18 =	simm.s32 $0x9900  }
0x16: {  	v0 =	vand.u32 $0x7, v2;
	v2 =	vor.u32 $0x8, v2;
	v1 =	vmul.u32 $0x8, v1;
	[dreg:$0x4] =	wrdreg s4;
	s4 =	smax.u32 s2, $0x1;
	s2 =	simm.s32 $0x1  }
.LBB2_1:
0x17: {  	s0 =	rddreg [dreg:$0x4]  }
0x18: {  	[tilespmem:s3], [sflag:$0x2] =	stream.linear.gather [hbm4b:s0+s3], $0x100, $0x38;
	[tilespmem:$0x10100] =	vst v63  }
0x19: {  	_ =	swait.ge [sflag:s5], $0x100  }
0x1a: {  	[sflag:s5] =	ssyncset.done $0x0  }
0x1b: {  	[sflag:s5] =	ssyncadd.s32 $0xFFFFFF00  }
0x1c: {  	v3 =	vld [tilespmem:$0x0];
	_ =	sdelay $0x4  }
0x1d: {  	v4 =	vshll.u32 v3, $0x1  }
0x1e: {  	v3 =	vand.u32 $0x7, v3;
	v4 =	vand.u32 $0xFFFFFFF0, v4  }
0x1f: {  	v3 =	vor.u32 v3, v4  }
0x20: {  	v4 =	vperm.xlane v3, v0;
	_ =	sdelay $0x1  }
0x21: {  	v3 =	vperm.xlane v3, v2;
	v4 =	vadd.s32 v1, v4;
	_ =	sdelay $0x1  }
0x22: {  	v3 =	vadd.s32 v1, v3;
	_ =	sdelay $0x2  }
0x23: {  	[tilespmem:s6], [sflag:$0x1] =	stream.indirect_vreg.gather [hbm4b:s1+s3], $0x80, v4, vm0, $0xb8;
	[tilespmem:$0x10100] =	vst v63  }
0x24: {  	s7 =	rddreg [dreg:$0x6]  }
0x25: {  	[tilespmem:s7], [sflag:$0x1] =	stream.indirect_vreg.gather [hbm4b:s1+s3], $0x80, v3, vm0, $0xb8;
	[tilespmem:$0x10100] =	vst v63  }
0x26: {  	v3 =	vld [tilespmem:$0x10];
	_ =	sdelay $0x4  }
0x27: {  	v49 =	vshll.u32 v3, $0x1  }
0x28: {  	v3 =	vand.u32 $0x7, v3;
	v4 =	vand.u32 $0xFFFFFFF0, v49  }
0x29: {  	v3 =	vor.u32 v3, v4  }
0x2a: {  	v4 =	vperm.xlane v3, v0;
	_ =	sdelay $0x1  }
0x2b: {  	v3 =	vperm.xlane v3, v2;
	v4 =	vadd.s32 v1, v4;
	_ =	sdelay $0x1  }
0x2c: {  	v3 =	vadd.s32 v1, v3;
	_ =	sdelay $0x1  }
0x2d: {  	s0 =	rddreg [dreg:$0x7]  }
0x2e: {  	[tilespmem:s0], [sflag:$0x1] =	stream.indirect_vreg.gather [hbm4b:s1+s3], $0x80, v4, vm0, $0xb8;
	[tilespmem:$0x10100] =	vst v63  }
0x2f: {  	s7 =	rddreg [dreg:$0x8]  }
0x30: {  	[tilespmem:s7], [sflag:$0x1] =	stream.indirect_vreg.gather [hbm4b:s1+s3], $0x80, v3, vm0, $0xb8;
	[tilespmem:$0x10100] =	vst v63  }
0x31: {  	v3 =	vld [tilespmem:$0x20];
	_ =	sdelay $0x4  }
0x32: {  	v50 =	vshll.u32 v3, $0x1  }
0x33: {  	v3 =	vand.u32 $0x7, v3;
	v4 =	vand.u32 $0xFFFFFFF0, v50  }
0x34: {  	v3 =	vor.u32 v3, v4  }
0x35: {  	v4 =	vperm.xlane v3, v0;
	_ =	sdelay $0x1  }
0x36: {  	v3 =	vperm.xlane v3, v2;
	v4 =	vadd.s32 v1, v4;
	_ =	sdelay $0x1  }
0x37: {  	v3 =	vadd.s32 v1, v3;
	_ =	sdelay $0x1  }
0x38: {  	s0 =	rddreg [dreg:$0x9]  }
0x39: {  	[tilespmem:s0], [sflag:$0x1] =	stream.indirect_vreg.gather [hbm4b:s1+s3], $0x80, v4, vm0, $0xb8;
	[tilespmem:$0x10100] =	vst v63  }
0x3a: {  	s7 =	rddreg [dreg:$0xa]  }
0x3b: {  	[tilespmem:s7], [sflag:$0x1] =	stream.indirect_vreg.gather [hbm4b:s1+s3], $0x80, v3, vm0, $0xb8;
	[tilespmem:$0x10100] =	vst v63  }
0x3c: {  	v3 =	vld [tilespmem:$0x30];
	_ =	sdelay $0x4  }
0x3d: {  	v51 =	vshll.u32 v3, $0x1  }
0x3e: {  	v3 =	vand.u32 $0x7, v3;
	v4 =	vand.u32 $0xFFFFFFF0, v51  }
0x3f: {  	v3 =	vor.u32 v3, v4  }
0x40: {  	v4 =	vperm.xlane v3, v0;
	_ =	sdelay $0x1  }
0x41: {  	v3 =	vperm.xlane v3, v2;
	v4 =	vadd.s32 v1, v4;
	_ =	sdelay $0x1  }
0x42: {  	v3 =	vadd.s32 v1, v3;
	_ =	sdelay $0x1  }
0x43: {  	s0 =	rddreg [dreg:$0xb]  }
0x44: {  	[tilespmem:s0], [sflag:$0x1] =	stream.indirect_vreg.gather [hbm4b:s1+s3], $0x80, v4, vm0, $0xb8;
	[tilespmem:$0x10100] =	vst v63  }
0x45: {  	s7 =	rddreg [dreg:$0xc]  }
0x46: {  	[tilespmem:s7], [sflag:$0x1] =	stream.indirect_vreg.gather [hbm4b:s1+s3], $0x80, v3, vm0, $0xb8;
	[tilespmem:$0x10100] =	vst v63  }
0x47: {  	v3 =	vld [tilespmem:$0x40];
	_ =	sdelay $0x4  }
0x48: {  	v52 =	vshll.u32 v3, $0x1  }
0x49: {  	v3 =	vand.u32 $0x7, v3;
	v4 =	vand.u32 $0xFFFFFFF0, v52  }
0x4a: {  	v3 =	vor.u32 v3, v4  }
0x4b: {  	v4 =	vperm.xlane v3, v0;
	_ =	sdelay $0x1  }
0x4c: {  	v3 =	vperm.xlane v3, v2;
	v4 =	vadd.s32 v1, v4;
	_ =	sdelay $0x1  }
0x4d: {  	v3 =	vadd.s32 v1, v3;
	_ =	sdelay $0x1  }
0x4e: {  	s7 =	simm.s32 $0x4100  }
0x4f: {  	[tilespmem:s7], [sflag:$0x1] =	stream.indirect_vreg.gather [hbm4b:s1+s3], $0x80, v4, vm0, $0xb8;
	[tilespmem:$0x10100] =	vst v63  }
0x50: {  	_ = 	snop  }
0x51: {  	[tilespmem:s8], [sflag:$0x1] =	stream.indirect_vreg.gather [hbm4b:s1+s3], $0x80, v3, vm0, $0xb8;
	[tilespmem:$0x10100] =	vst v63  }
0x52: {  	v3 =	vld [tilespmem:$0x50];
	_ =	sdelay $0x4  }
0x53: {  	v53 =	vshll.u32 v3, $0x1  }
0x54: {  	v3 =	vand.u32 $0x7, v3;
	v4 =	vand.u32 $0xFFFFFFF0, v53  }
0x55: {  	v3 =	vor.u32 v3, v4  }
0x56: {  	v4 =	vperm.xlane v3, v0;
	_ =	sdelay $0x1  }
0x57: {  	v3 =	vperm.xlane v3, v2;
	v4 =	vadd.s32 v1, v4;
	_ =	sdelay $0x1  }
0x58: {  	v3 =	vadd.s32 v1, v3;
	_ =	sdelay $0x2  }
0x59: {  	[tilespmem:s9], [sflag:$0x1] =	stream.indirect_vreg.gather [hbm4b:s1+s3], $0x80, v4, vm0, $0xb8;
	[tilespmem:$0x10100] =	vst v63  }
0x5a: {  	_ = 	snop  }
0x5b: {  	[tilespmem:s10], [sflag:$0x1] =	stream.indirect_vreg.gather [hbm4b:s1+s3], $0x80, v3, vm0, $0xb8;
	[tilespmem:$0x10100] =	vst v63  }
0x5c: {  	v3 =	vld [tilespmem:$0x60];
	_ =	sdelay $0x4  }
0x5d: {  	v54 =	vshll.u32 v3, $0x1  }
0x5e: {  	v3 =	vand.u32 $0x7, v3;
	v4 =	vand.u32 $0xFFFFFFF0, v54  }
0x5f: {  	v3 =	vor.u32 v3, v4  }
0x60: {  	v4 =	vperm.xlane v3, v0;
	_ =	sdelay $0x1  }
0x61: {  	v3 =	vperm.xlane v3, v2;
	v4 =	vadd.s32 v1, v4;
	_ =	sdelay $0x1  }
0x62: {  	v3 =	vadd.s32 v1, v3;
	_ =	sdelay $0x2  }
0x63: {  	[tilespmem:s11], [sflag:$0x1] =	stream.indirect_vreg.gather [hbm4b:s1+s3], $0x80, v4, vm0, $0xb8;
	[tilespmem:$0x10100] =	vst v63  }
0x64: {  	_ = 	snop  }
0x65: {  	[tilespmem:s12], [sflag:$0x1] =	stream.indirect_vreg.gather [hbm4b:s1+s3], $0x80, v3, vm0, $0xb8;
	[tilespmem:$0x10100] =	vst v63  }
0x66: {  	v3 =	vld [tilespmem:$0x70];
	_ =	sdelay $0x4  }
0x67: {  	v55 =	vshll.u32 v3, $0x1  }
0x68: {  	v3 =	vand.u32 $0x7, v3;
	v4 =	vand.u32 $0xFFFFFFF0, v55  }
0x69: {  	v3 =	vor.u32 v3, v4  }
0x6a: {  	v4 =	vperm.xlane v3, v0;
	_ =	sdelay $0x1  }
0x6b: {  	v3 =	vperm.xlane v3, v2;
	v4 =	vadd.s32 v1, v4;
	_ =	sdelay $0x1  }
0x6c: {  	v3 =	vadd.s32 v1, v3;
	_ =	sdelay $0x2  }
0x6d: {  	[tilespmem:s13], [sflag:$0x1] =	stream.indirect_vreg.gather [hbm4b:s1+s3], $0x80, v4, vm0, $0xb8;
	[tilespmem:$0x10100] =	vst v63  }
0x6e: {  	_ = 	snop  }
0x6f: {  	[tilespmem:s14], [sflag:$0x1] =	stream.indirect_vreg.gather [hbm4b:s1+s3], $0x80, v3, vm0, $0xb8;
	[tilespmem:$0x10100] =	vst v63  }
0x70: {  	v3 =	vld [tilespmem:$0x80];
	_ =	sdelay $0x4  }
0x71: {  	v56 =	vshll.u32 v3, $0x1  }
0x72: {  	v3 =	vand.u32 $0x7, v3;
	v4 =	vand.u32 $0xFFFFFFF0, v56  }
0x73: {  	v3 =	vor.u32 v3, v4  }
0x74: {  	v4 =	vperm.xlane v3, v0;
	_ =	sdelay $0x1  }
0x75: {  	v3 =	vperm.xlane v3, v2;
	v4 =	vadd.s32 v1, v4;
	_ =	sdelay $0x1  }
0x76: {  	v3 =	vadd.s32 v1, v3;
	_ =	sdelay $0x2  }
0x77: {  	[tilespmem:s15], [sflag:$0x1] =	stream.indirect_vreg.gather [hbm4b:s1+s3], $0x80, v4, vm0, $0xb8;
	[tilespmem:$0x10100] =	vst v63  }
0x78: {  	_ = 	snop  }
0x79: {  	[tilespmem:s16], [sflag:$0x1] =	stream.indirect_vreg.gather [hbm4b:s1+s3], $0x80, v3, vm0, $0xb8;
	[tilespmem:$0x10100] =	vst v63  }
0x7a: {  	v3 =	vld [tilespmem:$0x90];
	_ =	sdelay $0x4  }
0x7b: {  	v57 =	vshll.u32 v3, $0x1  }
0x7c: {  	v3 =	vand.u32 $0x7, v3;
	v4 =	vand.u32 $0xFFFFFFF0, v57  }
0x7d: {  	v3 =	vor.u32 v3, v4  }
0x7e: {  	v4 =	vperm.xlane v3, v0;
	_ =	sdelay $0x1  }
0x7f: {  	v3 =	vperm.xlane v3, v2;
	v4 =	vadd.s32 v1, v4;
	_ =	sdelay $0x1  }
0x80: {  	v3 =	vadd.s32 v1, v3;
	_ =	sdelay $0x2  }
0x81: {  	[tilespmem:s17], [sflag:$0x1] =	stream.indirect_vreg.gather [hbm4b:s1+s3], $0x80, v4, vm0, $0xb8;
	[tilespmem:$0x10100] =	vst v63  }
0x82: {  	_ = 	snop  }
0x83: {  	[tilespmem:s18], [sflag:$0x1] =	stream.indirect_vreg.gather [hbm4b:s1+s3], $0x80, v3, vm0, $0xb8;
	[tilespmem:$0x10100] =	vst v63  }
0x84: {  	v3 =	vld [tilespmem:$0xA0];
	_ =	sdelay $0x4  }
0x85: {  	v58 =	vshll.u32 v3, $0x1  }
0x86: {  	v3 =	vand.u32 $0x7, v3;
	v4 =	vand.u32 $0xFFFFFFF0, v58  }
0x87: {  	v3 =	vor.u32 v3, v4  }
0x88: {  	v4 =	vperm.xlane v3, v0;
	_ =	sdelay $0x1  }
0x89: {  	v3 =	vperm.xlane v3, v2;
	v4 =	vadd.s32 v1, v4;
	_ =	sdelay $0x1  }
0x8a: {  	v3 =	vadd.s32 v1, v3;
	_ =	sdelay $0x2  }
0x8b: {  	[tilespmem:s19], [sflag:$0x1] =	stream.indirect_vreg.gather [hbm4b:s1+s3], $0x80, v4, vm0, $0xb8;
	[tilespmem:$0x10100] =	vst v63  }
0x8c: {  	_ = 	snop  }
0x8d: {  	[tilespmem:s20], [sflag:$0x1] =	stream.indirect_vreg.gather [hbm4b:s1+s3], $0x80, v3, vm0, $0xb8;
	[tilespmem:$0x10100] =	vst v63  }
0x8e: {  	v3 =	vld [tilespmem:$0xB0];
	_ =	sdelay $0x4  }
0x8f: {  	v59 =	vshll.u32 v3, $0x1  }
0x90: {  	v3 =	vand.u32 $0x7, v3;
	v4 =	vand.u32 $0xFFFFFFF0, v59  }
0x91: {  	v3 =	vor.u32 v3, v4  }
0x92: {  	v4 =	vperm.xlane v3, v0;
	_ =	sdelay $0x1  }
0x93: {  	v3 =	vperm.xlane v3, v2;
	v4 =	vadd.s32 v1, v4;
	_ =	sdelay $0x1  }
0x94: {  	v3 =	vadd.s32 v1, v3;
	_ =	sdelay $0x2  }
0x95: {  	[tilespmem:s21], [sflag:$0x1] =	stream.indirect_vreg.gather [hbm4b:s1+s3], $0x80, v4, vm0, $0xb8;
	[tilespmem:$0x10100] =	vst v63  }
0x96: {  	_ = 	snop  }
0x97: {  	[tilespmem:s22], [sflag:$0x1] =	stream.indirect_vreg.gather [hbm4b:s1+s3], $0x80, v3, vm0, $0xb8;
	[tilespmem:$0x10100] =	vst v63  }
0x98: {  	v3 =	vld [tilespmem:$0xC0];
	_ =	sdelay $0x4  }
0x99: {  	v60 =	vshll.u32 v3, $0x1  }
0x9a: {  	v3 =	vand.u32 $0x7, v3;
	v4 =	vand.u32 $0xFFFFFFF0, v60  }
0x9b: {  	v3 =	vor.u32 v3, v4  }
0x9c: {  	v4 =	vperm.xlane v3, v0;
	_ =	sdelay $0x1  }
0x9d: {  	v3 =	vperm.xlane v3, v2;
	v4 =	vadd.s32 v1, v4;
	_ =	sdelay $0x1  }
0x9e: {  	v3 =	vadd.s32 v1, v3;
	_ =	sdelay $0x2  }
0x9f: {  	[tilespmem:s23], [sflag:$0x1] =	stream.indirect_vreg.gather [hbm4b:s1+s3], $0x80, v4, vm0, $0xb8;
	[tilespmem:$0x10100] =	vst v63  }
0xa0: {  	_ = 	snop  }
0xa1: {  	[tilespmem:s24], [sflag:$0x1] =	stream.indirect_vreg.gather [hbm4b:s1+s3], $0x80, v3, vm0, $0xb8;
	[tilespmem:$0x10100] =	vst v63  }
0xa2: {  	v3 =	vld [tilespmem:$0xD0];
	_ =	sdelay $0x4  }
0xa3: {  	v61 =	vshll.u32 v3, $0x1  }
0xa4: {  	v3 =	vand.u32 $0x7, v3;
	v4 =	vand.u32 $0xFFFFFFF0, v61  }
0xa5: {  	v3 =	vor.u32 v3, v4  }
0xa6: {  	v4 =	vperm.xlane v3, v0;
	_ =	sdelay $0x1  }
0xa7: {  	v3 =	vperm.xlane v3, v2;
	v4 =	vadd.s32 v1, v4;
	_ =	sdelay $0x1  }
0xa8: {  	v3 =	vadd.s32 v1, v3;
	_ =	sdelay $0x2  }
0xa9: {  	[tilespmem:s25], [sflag:$0x1] =	stream.indirect_vreg.gather [hbm4b:s1+s3], $0x80, v4, vm0, $0xb8;
	[tilespmem:$0x10100] =	vst v63  }
0xaa: {  	_ = 	snop  }
0xab: {  	[tilespmem:s26], [sflag:$0x1] =	stream.indirect_vreg.gather [hbm4b:s1+s3], $0x80, v3, vm0, $0xb8;
	[tilespmem:$0x10100] =	vst v63  }
0xac: {  	v3 =	vld [tilespmem:$0xE0];
	_ =	sdelay $0x4  }
0xad: {  	v62 =	vshll.u32 v3, $0x1  }
0xae: {  	v3 =	vand.u32 $0x7, v3;
	v4 =	vand.u32 $0xFFFFFFF0, v62  }
0xaf: {  	v3 =	vor.u32 v3, v4  }
0xb0: {  	v4 =	vperm.xlane v3, v0;
	_ =	sdelay $0x1  }
0xb1: {  	v3 =	vperm.xlane v3, v2;
	v4 =	vadd.s32 v1, v4;
	_ =	sdelay $0x1  }
0xb2: {  	v3 =	vadd.s32 v1, v3;
	_ =	sdelay $0x2  }
0xb3: {  	[tilespmem:s28], [sflag:$0x1] =	stream.indirect_vreg.gather [hbm4b:s1+s3], $0x80, v4, vm0, $0xb8;
	[tilespmem:$0x10100] =	vst v63  }
0xb4: {  	_ = 	snop  }
0xb5: {  	[tilespmem:s29], [sflag:$0x1] =	stream.indirect_vreg.gather [hbm4b:s1+s3], $0x80, v3, vm0, $0xb8;
	[tilespmem:$0x10100] =	vst v63  }
0xb6: {  	v3 =	vld [tilespmem:$0xF0];
	_ =	sdelay $0x4  }
0xb7: {  	v63 =	vshll.u32 v3, $0x1  }
0xb8: {  	v3 =	vand.u32 $0x7, v3;
	v4 =	vand.u32 $0xFFFFFFF0, v63  }
0xb9: {  	v3 =	vor.u32 v3, v4  }
0xba: {  	v4 =	vperm.xlane v3, v0;
	_ =	sdelay $0x1  }
0xbb: {  	v3 =	vperm.xlane v3, v2;
	v4 =	vadd.s32 v1, v4;
	_ =	sdelay $0x1  }
0xbc: {  	v3 =	vadd.s32 v1, v3;
	_ =	sdelay $0x2  }
0xbd: {  	[tilespmem:s30], [sflag:$0x1] =	stream.indirect_vreg.gather [hbm4b:s1+s3], $0x80, v4, vm0, $0xb8;
	[tilespmem:$0x10100] =	vst v63  }
0xbe: {  	_ = 	snop  }
0xbf: {  	[tilespmem:s31], [sflag:$0x1] =	stream.indirect_vreg.gather [hbm4b:s1+s3], $0x80, v3, vm0, $0xb8;
	[tilespmem:$0x10100] =	vst v63  }
0xc0: {  	_ =	swait.ge [sflag:s2], $0x10000  }
0xc1: {  	p0 =	sne.s32 s4, $0x1;
	[sflag:s2] =	ssyncset.done $0x0  }
.Ltmp0:
0xc2: {  	s7 =	rddreg [dreg:$0x5];
	[sflag:s2] =	ssyncadd.s32 $0xFFFF0000;
	(pc) =	sbr.rel @p0 .LBB2_1-.Ltmp0, $4  }
0xc3: {  	[hbm4b:s7+s3] =	stream.linear.scatter [tilespmem:s6], [sflag:$0x2], $0x10000, $0x38;
	[tilespmem:$0x10100] =	vst v63  }
0xc4: {  	_ =	swait.ge [sflag:s5], $0x10000  }
0xc5: {  	[sflag:s5] =	ssyncset.done $0x0  }
0xc6: {  	s4 =	sadd.s32 $0xFFFFFFFF, s4;
	[sflag:s5] =	ssyncadd.s32 $0xFFFF0000  }
0xc7: {  	_ =	sfence.sel $0x180000  }
0xc8: {  	[bflag:$0x0] =	sbarrier.arrive $0xFFFF  }
0xc9: {  	_ =	strace $0x90000047  }
0xca: {  	s0 =	stileid.u32;
	[bflag:$0x2] =	sbarrier.arrive $0xFFFF  }
0xcb: {  	p0 =	sne.s32 s0, $0x0;
	s0 =	rddreg [dreg:$0x3]  }
0xcc: {  	s0 =	sadd.s32 @!p0 $0x100000, s0  }
0xcd: {  	[sflag:s0] =	ssyncadd.tile.s32 @!p0 $0x1;
	_ =	shalt  }
.Lfunc_end2:
_tile_overlayer_lowered:
.L_overlay_start_2:
0xce: {  	(tag) =	ssettag $0x2  }
0xcf: {  	s0 =	rddreg [dreg:$0x0];
	s2 =	stileid.u32  }
0xd0: {  	s1 =	rddreg [dreg:$0x1];
	p0 =	sne.s32 s2, $0x0  }
0xd1: {  	s3 =	rddreg [dreg:$0x2];
	[bflag:$0x3] =	sbarrier.arrive $0xFFFF;
	s2 =	simm.s32 @!p0 $0x1C02  }
0xd2: {  	[timem:s3], [sflag:s2] =	dma.local @!p0 [hbm:s0], s1  }
0xd3: {  	s0 =	simm.s32 @!p0 $0x2  }
0xd4: {  	_ =	swait.ge @!p0 [sflag:s0], s1  }
0xd5: {  	s1 =	ssub.s32 @!p0 $0x0, s1;
	[sflag:s0] =	ssyncset.done @!p0 $0x0  }
0xd6: {  	[sflag:s0] =	ssyncadd.s32 @!p0 s1  }
0xd7: {  	[bflag:$0x3] =	sbarrier.arrive $0xFFFF  }
0xd8: {  	_ =	shalt  }

</sc_bundles>
